<compile_context>
chip_gen: v7x
topology: tpu7x:2x2x1
jax: 0.10.2.dev20260603
libtpu: 0.0.44.dev20260713+nightly
codegen_flags: <defaults>
</compile_context>

<pallas_src>
import functools

import jax
import jax.numpy as jnp
from jax import lax
from jax.experimental import pallas as pl
from jax.experimental.pallas import tpu as pltpu
from jax.experimental.pallas import tpu_sc as plsc

NUM_E = 8192
D = 32
N_ROWS = 9216
ROW_BLK = 1152
N_BLKS = N_ROWS // ROW_BLK
E_CHUNK = 1024
N_CHUNKS = NUM_E // E_CHUNK

NC, NS = 2, 16
NW = NC * NS
BPW = N_ROWS // NW


def _argmin_body(xt_ref, e_ref, idx_ref, dsum_ref):
    b = pl.program_id(0)
    xt = xt_ref[...]
    a = jnp.sum(xt * xt, axis=0, keepdims=True)
    run_min = jnp.full((1, ROW_BLK), jnp.inf, jnp.float32)
    run_idx = jnp.zeros((1, ROW_BLK), jnp.float32)
    iota = lax.broadcasted_iota(jnp.int32, (E_CHUNK, ROW_BLK), 0).astype(jnp.float32)
    for c in range(N_CHUNKS):
        ec = e_ref[pl.ds(c * E_CHUNK, E_CHUNK), :]
        bn = jnp.sum(ec * ec, axis=1, keepdims=True)
        m2 = lax.dot_general(ec + ec, xt, (((1,), (0,)), ((), ())),
                             preferred_element_type=jnp.float32)
        s = (a + bn) - m2
        minv = jnp.min(s, axis=0, keepdims=True)
        idxc = jnp.min(jnp.where(s == minv, iota, jnp.float32(2.0 ** 24)),
                       axis=0, keepdims=True) + jnp.float32(c * E_CHUNK)
        upd = minv < run_min
        run_min = jnp.where(upd, minv, run_min)
        run_idx = jnp.where(upd, idxc, run_idx)
    idx_ref[...] = run_idx.astype(jnp.int32).reshape(1, 1, ROW_BLK)

    @pl.when(b == 0)
    def _():
        dsum_ref[...] = jnp.zeros((1, 1), jnp.float32)

    dsum_ref[...] += jnp.sum(run_min).reshape(1, 1)


_argmin_call = pl.pallas_call(
    _argmin_body,
    grid=(N_BLKS,),
    in_specs=[
        pl.BlockSpec((D, ROW_BLK), lambda b: (0, b)),
        pl.BlockSpec((NUM_E, D), lambda b: (0, 0)),
    ],
    out_specs=[
        pl.BlockSpec((1, 1, ROW_BLK), lambda b: (b, 0, 0)),
        pl.BlockSpec((1, 1), lambda b: (0, 0)),
    ],
    out_shape=[
        jax.ShapeDtypeStruct((N_BLKS, 1, ROW_BLK), jnp.int32),
        jax.ShapeDtypeStruct((1, 1), jnp.float32),
    ],
)


def _sc_gather_body(idx_hbm, x_hbm, tab_hbm, out_hbm, idx_v, q_v, x_v, sem):
    wid = lax.axis_index("s") * NC + lax.axis_index("c")
    base = wid * BPW
    pltpu.sync_copy(idx_hbm.at[pl.ds(base, BPW)], idx_v)
    gather = pltpu.async_copy(tab_hbm.at[idx_v], q_v, sem)
    pltpu.sync_copy(x_hbm.at[pl.ds(base, BPW)], x_v)
    gather.wait()

    def body(i, carry):
        for h in range(D // 16):
            xv = x_v[i, pl.ds(h * 16, 16)]
            qv = q_v[i, pl.ds(h * 16, 16)]
            q_v[i, pl.ds(h * 16, 16)] = xv + (qv - xv)
        return carry

    lax.fori_loop(0, BPW, body, 0)
    pltpu.sync_copy(q_v, out_hbm.at[pl.ds(base, BPW)])


@functools.cache
def _sc_gather_call():
    return pl.kernel(
        _sc_gather_body,
        out_type=jax.ShapeDtypeStruct((N_ROWS, D), jnp.float32),
        mesh=plsc.VectorSubcoreMesh(
            core_axis_name="c", subcore_axis_name="s",
            num_cores=NC, num_subcores=NS),
        scratch_types=[
            pltpu.VMEM((BPW,), jnp.int32),
            pltpu.VMEM((BPW, D), jnp.float32),
            pltpu.VMEM((BPW, D), jnp.float32),
            pltpu.SemaphoreType.DMA,
        ],
        compiler_params=pltpu.CompilerParams(use_tc_tiling_on_sc=False),
    )


def kernel(input, embed_weight):
    flat = input.reshape(N_ROWS, D)
    idx_blk, dsum = _argmin_call(flat.T, embed_weight)
    idx = idx_blk.reshape(N_ROWS)
    q = _sc_gather_call()(idx, flat, embed_weight)
    loss = 0.25 * (dsum[0, 0] / jnp.float32(N_ROWS * D))
    return q.reshape(input.shape), loss

# --- scband reference (transcript-rebuilt; emitter-appended) ---
"""Pipeline reference for scband-vq-ema-zalando-1099511627878 (READ-ONLY COPY).

The authoritative reference and input builder live on the scoring server;
editing this copy changes nothing except your own understanding.
"""

import jax, jax.numpy as jnp
import numpy as np

NUM_EMB = 8192
EMB_DIM = 32

def setup_inputs(seed: int = 0) -> dict:
    key = jax.random.key(seed)
    k1, k2 = jax.random.split(key)
    inp = jax.random.normal(k1, (16, 576, 32), dtype=jnp.float32)
    embed_weight = jax.random.uniform(k2, (NUM_EMB, EMB_DIM), dtype=jnp.float32, minval=-1.0 / NUM_EMB, maxval=1.0 / NUM_EMB)
    return {"input": inp, "embed_weight": embed_weight}

def reference(input, embed_weight):
    input_shape = input.shape
    flat_input = jax.lax.stop_gradient(input).reshape(-1, input_shape[-1])
    distances = (jnp.sum(flat_input ** 2, axis=1, keepdims=True)
                 + jnp.sum(embed_weight ** 2, axis=1)
                 - 2.0 * jnp.matmul(flat_input, embed_weight.T))
    encoding_indices = jnp.argmin(distances, axis=-1)
    encodings = jax.nn.one_hot(encoding_indices, NUM_EMB, dtype=jnp.float32)
    quantized = jnp.matmul(encodings, embed_weight).reshape(input_shape)
    e_latent_loss = jnp.mean((input - jax.lax.stop_gradient(quantized)) ** 2)
    loss = 0.25 * e_latent_loss
    quantized = input + jax.lax.stop_gradient(quantized - input)
    return (quantized, loss)

if __name__ == "__main__":
    import jax
    _d = setup_inputs()
    print(jax.jit(kernel)(*tuple(_d.values())))

</pallas_src>

<mosaic_0001>
#map = affine_map<(d0, d1) -> (0)>
#map1 = affine_map<(d0, d1) -> (0, 0)>
module attributes {stable_mosaic.version = 14 : i64} {
  func.func @_sc_gather_body(%arg0: i32, %arg1: i32, %arg2: memref<9216xi32, #tpu.memory_space<hbm>>, %arg3: memref<9216x32xf32, #tpu.memory_space<hbm>>, %arg4: memref<8192x32xf32, #tpu.memory_space<hbm>>, %arg5: memref<9216x32xf32, #tpu.memory_space<hbm>>, %arg6: memref<288xi32, #tpu.memory_space<vmem>>, %arg7: memref<288x32xf32, #tpu.memory_space<vmem>>, %arg8: memref<288x32xf32, #tpu.memory_space<vmem>>, %arg9: memref<!tpu.dma_semaphore, #tpu.memory_space<semaphore_mem>>) attributes {dimension_semantics = [#tpu.dimension_semantics<core_parallel>, #tpu.dimension_semantics<subcore_parallel>], iteration_bounds = array<i64: 2, 16>, scalar_prefetch = 0 : i64, scratch_operands = 4 : i64, tpu.core_type = #tpu.core_type<sc_vector_subcore>, window_params = [{transform_indices = #map}, {transform_indices = #map1}, {transform_indices = #map1}, {transform_indices = #map1}]} {
    %mul3A = arith.constant 2 : i32
    %mul3A_0 = arith.muli %arg1, %mul3A : i32
    %add3A = arith.addi %mul3A_0, %arg0 : i32
    %mul3A_1 = arith.constant 288 : i32
    %mul3A_2 = arith.muli %add3A, %mul3A_1 : i32
    "tpu.region"() ({
      %run_scoped3A = tpu.sem_alloc : memref<!tpu.dma_semaphore, #tpu.memory_space<semaphore_mem>>
      %dma_start3A_12 = tpu.memref_slice %arg2[%mul3A_2] : memref<9216xi32, #tpu.memory_space<hbm>> -> memref<288xi32, #tpu.memory_space<hbm>>
      %dma_start3A_13 = tpu.memref_slice %arg2[%mul3A_2] : memref<9216xi32, #tpu.memory_space<hbm>> -> memref<288xi32, #tpu.memory_space<hbm>>
      tpu.enqueue_dma source(%dma_start3A_13 : memref<288xi32, #tpu.memory_space<hbm>>) target(%arg6 : memref<288xi32, #tpu.memory_space<vmem>>) target_semaphore(%run_scoped3A : memref<!tpu.dma_semaphore, #tpu.memory_space<semaphore_mem>>)
      %dma_wait3A_14 = tpu.memref_slice %arg2[%mul3A_2] : memref<9216xi32, #tpu.memory_space<hbm>> -> memref<288xi32, #tpu.memory_space<hbm>>
      %dma_wait3A_15 = tpu.memref_slice %arg2[%mul3A_2] : memref<9216xi32, #tpu.memory_space<hbm>> -> memref<288xi32, #tpu.memory_space<hbm>>
      tpu.wait_dma2 semaphore(%run_scoped3A : memref<!tpu.dma_semaphore, #tpu.memory_space<semaphore_mem>>) src(%dma_wait3A_15 : memref<288xi32, #tpu.memory_space<hbm>>) dst(%arg6 : memref<288xi32, #tpu.memory_space<vmem>>)
      tpu.yield
    }) : () -> ()
    %dma_start3A = arith.constant 0 : i32
    %dma_start3A_3 = arith.constant 0 : i32
    %dma_start3A_4 = tpu.memref_slice %arg4[%dma_start3A, %dma_start3A_3] : memref<8192x32xf32, #tpu.memory_space<hbm>> -> memref<8192x32xf32, #tpu.memory_space<hbm>>
    tpu.enqueue_indirect_dma source(%dma_start3A_4 : memref<8192x32xf32, #tpu.memory_space<hbm>>) target(%arg7 : memref<288x32xf32, #tpu.memory_space<vmem>>) offsets(%arg6 : memref<288xi32, #tpu.memory_space<vmem>>) semaphore(%arg9 : memref<!tpu.dma_semaphore, #tpu.memory_space<semaphore_mem>>)
    "tpu.region"() ({
      %run_scoped3A = tpu.sem_alloc : memref<!tpu.dma_semaphore, #tpu.memory_space<semaphore_mem>>
      %dma_start3A_12 = arith.constant 0 : i32
      %dma_start3A_13 = tpu.memref_slice %arg3[%mul3A_2, %dma_start3A_12] : memref<9216x32xf32, #tpu.memory_space<hbm>> -> memref<288x32xf32, #tpu.memory_space<hbm>>
      %dma_start3A_14 = arith.constant 0 : i32
      %dma_start3A_15 = tpu.memref_slice %arg3[%mul3A_2, %dma_start3A_14] : memref<9216x32xf32, #tpu.memory_space<hbm>> -> memref<288x32xf32, #tpu.memory_space<hbm>>
      tpu.enqueue_dma source(%dma_start3A_15 : memref<288x32xf32, #tpu.memory_space<hbm>>) target(%arg8 : memref<288x32xf32, #tpu.memory_space<vmem>>) target_semaphore(%run_scoped3A : memref<!tpu.dma_semaphore, #tpu.memory_space<semaphore_mem>>)
      %dma_wait3A_16 = arith.constant 0 : i32
      %dma_wait3A_17 = tpu.memref_slice %arg3[%mul3A_2, %dma_wait3A_16] : memref<9216x32xf32, #tpu.memory_space<hbm>> -> memref<288x32xf32, #tpu.memory_space<hbm>>
      %dma_wait3A_18 = arith.constant 0 : i32
      %dma_wait3A_19 = tpu.memref_slice %arg3[%mul3A_2, %dma_wait3A_18] : memref<9216x32xf32, #tpu.memory_space<hbm>> -> memref<288x32xf32, #tpu.memory_space<hbm>>
      tpu.wait_dma2 semaphore(%run_scoped3A : memref<!tpu.dma_semaphore, #tpu.memory_space<semaphore_mem>>) src(%dma_wait3A_19 : memref<288x32xf32, #tpu.memory_space<hbm>>) dst(%arg8 : memref<288x32xf32, #tpu.memory_space<vmem>>)
      tpu.yield
    }) : () -> ()
    %dma_wait3A = arith.constant 0 : i32
    %dma_wait3A_5 = arith.constant 0 : i32
    %dma_wait3A_6 = tpu.memref_slice %arg4[%dma_wait3A, %dma_wait3A_5] : memref<8192x32xf32, #tpu.memory_space<hbm>> -> memref<8192x32xf32, #tpu.memory_space<hbm>>
    tpu.wait_indirect_dma semaphore(%arg9 : memref<!tpu.dma_semaphore, #tpu.memory_space<semaphore_mem>>) src(%dma_wait3A_6 : memref<8192x32xf32, #tpu.memory_space<hbm>>) dst(%arg7 : memref<288x32xf32, #tpu.memory_space<vmem>>)
    %scan3A = arith.constant 0 : i32
    %scan3A_7 = arith.constant 0 : i32
    %scan3A_8 = arith.constant 288 : i32
    %scan3A_9 = arith.addi %scan3A_7, %scan3A_8 : i32
    %scan3A_10 = arith.constant 1 : i32
    scf.for %scan3A_12 = %scan3A_7 to %scan3A_9 step %scan3A_10  : i32 {
      %get3A = arith.index_cast %scan3A_12 : i32 to index
      %get3A_13 = arith.constant 0 : index
      %get3A_14 = tpu.vector_load %arg8[%get3A, %get3A_13] {strides = array<i32>} : memref<288x32xf32, #tpu.memory_space<vmem>>, vector<1x16xf32>,
      %get3A_15 = vector.shape_cast %get3A_14 : vector<1x16xf32> to vector<16xf32>
      %get3A_16 = arith.index_cast %scan3A_12 : i32 to index
      %get3A_17 = arith.constant 0 : index
      %get3A_18 = tpu.vector_load %arg7[%get3A_16, %get3A_17] {strides = array<i32>} : memref<288x32xf32, #tpu.memory_space<vmem>>, vector<1x16xf32>,
      %get3A_19 = vector.shape_cast %get3A_18 : vector<1x16xf32> to vector<16xf32>
      %sub3A = arith.subf %get3A_19, %get3A_15 : vector<16xf32>
      %add3A_20 = arith.addf %get3A_15, %sub3A : vector<16xf32>
      %swap3A = arith.index_cast %scan3A_12 : i32 to index
      %swap3A_21 = arith.constant 0 : index
      %swap3A_22 = tpu.vector_load %arg7[%swap3A, %swap3A_21] {strides = array<i32>} : memref<288x32xf32, #tpu.memory_space<vmem>>, vector<1x16xf32>,
      %swap3A_23 = vector.shape_cast %swap3A_22 : vector<1x16xf32> to vector<16xf32>
      %swap3A_24 = vector.shape_cast %add3A_20 : vector<16xf32> to vector<1x16xf32>
      tpu.vector_store %arg7[%swap3A, %swap3A_21], %swap3A_24 {strides = array<i32>} : memref<288x32xf32, #tpu.memory_space<vmem>>, vector<1x16xf32>,
      %get3A_25 = arith.index_cast %scan3A_12 : i32 to index
      %get3A_26 = arith.constant 16 : index
      %get3A_27 = tpu.vector_load %arg8[%get3A_25, %get3A_26] {strides = array<i32>} : memref<288x32xf32, #tpu.memory_space<vmem>>, vector<1x16xf32>,
      %get3A_28 = vector.shape_cast %get3A_27 : vector<1x16xf32> to vector<16xf32>
      %get3A_29 = arith.index_cast %scan3A_12 : i32 to index
      %get3A_30 = arith.constant 16 : index
      %get3A_31 = tpu.vector_load %arg7[%get3A_29, %get3A_30] {strides = array<i32>} : memref<288x32xf32, #tpu.memory_space<vmem>>, vector<1x16xf32>,
      %get3A_32 = vector.shape_cast %get3A_31 : vector<1x16xf32> to vector<16xf32>
      %sub3A_33 = arith.subf %get3A_32, %get3A_28 : vector<16xf32>
      %add3A_34 = arith.addf %get3A_28, %sub3A_33 : vector<16xf32>
      %swap3A_35 = arith.index_cast %scan3A_12 : i32 to index
      %swap3A_36 = arith.constant 16 : index
      %swap3A_37 = tpu.vector_load %arg7[%swap3A_35, %swap3A_36] {strides = array<i32>} : memref<288x32xf32, #tpu.memory_space<vmem>>, vector<1x16xf32>,
      %swap3A_38 = vector.shape_cast %swap3A_37 : vector<1x16xf32> to vector<16xf32>
      %swap3A_39 = vector.shape_cast %add3A_34 : vector<16xf32> to vector<1x16xf32>
      tpu.vector_store %arg7[%swap3A_35, %swap3A_36], %swap3A_39 {strides = array<i32>} : memref<288x32xf32, #tpu.memory_space<vmem>>, vector<1x16xf32>,
    }
    %scan3A_11 = arith.constant 288 : i32
    "tpu.region"() ({
      %run_scoped3A = tpu.sem_alloc : memref<!tpu.dma_semaphore, #tpu.memory_space<semaphore_mem>>
      %dma_start3A_12 = arith.constant 0 : i32
      %dma_start3A_13 = tpu.memref_slice %arg5[%mul3A_2, %dma_start3A_12] : memref<9216x32xf32, #tpu.memory_space<hbm>> -> memref<288x32xf32, #tpu.memory_space<hbm>>
      %dma_start3A_14 = arith.constant 0 : i32
      %dma_start3A_15 = tpu.memref_slice %arg5[%mul3A_2, %dma_start3A_14] : memref<9216x32xf32, #tpu.memory_space<hbm>> -> memref<288x32xf32, #tpu.memory_space<hbm>>
      tpu.enqueue_dma source(%arg7 : memref<288x32xf32, #tpu.memory_space<vmem>>) target(%dma_start3A_15 : memref<288x32xf32, #tpu.memory_space<hbm>>) target_semaphore(%run_scoped3A : memref<!tpu.dma_semaphore, #tpu.memory_space<semaphore_mem>>)
      %dma_wait3A_16 = arith.constant 0 : i32
      %dma_wait3A_17 = tpu.memref_slice %arg5[%mul3A_2, %dma_wait3A_16] : memref<9216x32xf32, #tpu.memory_space<hbm>> -> memref<288x32xf32, #tpu.memory_space<hbm>>
      %dma_wait3A_18 = arith.constant 0 : i32
      %dma_wait3A_19 = tpu.memref_slice %arg5[%mul3A_2, %dma_wait3A_18] : memref<9216x32xf32, #tpu.memory_space<hbm>> -> memref<288x32xf32, #tpu.memory_space<hbm>>
      tpu.wait_dma2 semaphore(%run_scoped3A : memref<!tpu.dma_semaphore, #tpu.memory_space<semaphore_mem>>) src(%arg7 : memref<288x32xf32, #tpu.memory_space<vmem>>) dst(%dma_wait3A_19 : memref<288x32xf32, #tpu.memory_space<hbm>>)
      tpu.yield
    }) : () -> ()
    return
  }
}

module attributes {stable_mosaic.version = 14 : i64} {
  func.func @_argmin_body(%arg0: i32, %arg1: memref<32x1152xf32, #tpu.memory_space<vmem>>, %arg2: memref<8192x32xf32, #tpu.memory_space<vmem>>, %arg3: memref<1x1x1152xi32, #tpu.memory_space<vmem>>, %arg4: memref<1x1xf32, #tpu.memory_space<vmem>>) attributes {dimension_semantics = [#tpu.dimension_semantics<arbitrary>], iteration_bounds = array<i64: 8>, scalar_prefetch = 0 : i64, scratch_operands = 0 : i64, tpu.core_type = #tpu.core_type<tc>, window_params = [{transform_indices = @transform_0, window_bounds = array<i64: 32, 1152>}, {pipeline_mode = #tpu.pipeline_mode<synchronous>, transform_indices = @transform_1, window_bounds = array<i64: 8192, 32>}, {transform_indices = @transform_2, window_bounds = array<i64: 1, 1, 1152>}, {pipeline_mode = #tpu.pipeline_mode<synchronous>, transform_indices = @transform_3, window_bounds = array<i64: 1, 1>}]} {
    %get3A = arith.constant 0 : index
    %get3A_0 = arith.constant 0 : index
    %get3A_1 = vector.load %arg1[%get3A, %get3A_0] : memref<32x1152xf32, #tpu.memory_space<vmem>>, vector<32x1152xf32>
    %mul3A = arith.mulf %get3A_1, %get3A_1 : vector<32x1152xf32>
    %reduce_sum3A = arith.constant dense<0.000000e+00> : vector<1152xf32>
    %reduce_sum3A_2 = vector.multi_reduction <add>, %mul3A, %reduce_sum3A [0] : vector<32x1152xf32> to vector<1152xf32>
    %broadcast_in_dim3A = vector.shape_cast %reduce_sum3A_2 : vector<1152xf32> to vector<1x1152xf32>
    %broadcast_in_dim3A_3 = arith.constant 0x7F800000 : f32
    %broadcast_in_dim3A_4 = vector.broadcast %broadcast_in_dim3A_3 : f32 to vector<1x1152xf32>
    %broadcast_in_dim3A_5 = arith.constant 0.000000e+00 : f32
    %broadcast_in_dim3A_6 = vector.broadcast %broadcast_in_dim3A_5 : f32 to vector<1x1152xf32>
    %iota3A = tpu.iota {dimensions = array<i32: 0>} : vector<1024x1152xi32>
    %convert_element_type3A = arith.sitofp %iota3A : vector<1024x1152xi32> to vector<1024x1152xf32>
    %get3A_7 = arith.constant 0 : index
    %get3A_8 = arith.constant 0 : index
    %get3A_9 = vector.load %arg2[%get3A_7, %get3A_8] : memref<8192x32xf32, #tpu.memory_space<vmem>>, vector<1024x32xf32>
    %mul3A_10 = arith.mulf %get3A_9, %get3A_9 : vector<1024x32xf32>
    %reduce_sum3A_11 = arith.constant dense<0.000000e+00> : vector<1024xf32>
    %reduce_sum3A_12 = vector.multi_reduction <add>, %mul3A_10, %reduce_sum3A_11 [1] : vector<1024x32xf32> to vector<1024xf32>
    %broadcast_in_dim3A_13 = vector.shape_cast %reduce_sum3A_12 : vector<1024xf32> to vector<1024x1xf32>
    %add3A = arith.addf %get3A_9, %get3A_9 : vector<1024x32xf32>
    %dot_general3A = arith.constant dense<0.000000e+00> : vector<1024x1152xf32>
    %dot_general3A_14 = tpu.matmul %add3A, %get3A_1, %dot_general3A {dimension_numbers = #tpu.dot_dimension_numbers<[1], [0], [0], [1], [0, 0, 1, 1], [], []>, transpose_lhs_hint = false} : vector<1024x32xf32>, vector<32x1152xf32>, vector<1024x1152xf32> -> vector<1024x1152xf32>
    %add3A_15 = vector.broadcast %broadcast_in_dim3A : vector<1x1152xf32> to vector<1024x1152xf32>
    %add3A_16 = vector.broadcast %broadcast_in_dim3A_13 : vector<1024x1xf32> to vector<1024x1152xf32>
    %add3A_17 = arith.addf %add3A_15, %add3A_16 : vector<1024x1152xf32>
    %sub3A = arith.subf %add3A_17, %dot_general3A_14 : vector<1024x1152xf32>
    %reduce_min3A = arith.constant dense<0x7F800000> : vector<1152xf32>
    %reduce_min3A_18 = vector.multi_reduction <minimumf>, %sub3A, %reduce_min3A [0] : vector<1024x1152xf32> to vector<1152xf32>
    %broadcast_in_dim3A_19 = vector.shape_cast %reduce_min3A_18 : vector<1152xf32> to vector<1x1152xf32>
    %eq3A = vector.broadcast %broadcast_in_dim3A_19 : vector<1x1152xf32> to vector<1024x1152xf32>
    %eq3A_20 = arith.cmpf oeq, %sub3A, %eq3A : vector<1024x1152xf32>
    %jit3A = arith.constant 0x4B800000 : f32
    %broadcast_in_dim3A_21 = vector.broadcast %jit3A : f32 to vector<1024x1152xf32>
    %select_n3A = arith.select %eq3A_20, %convert_element_type3A, %broadcast_in_dim3A_21 : vector<1024x1152xi1>, vector<1024x1152xf32>
    %reduce_min3A_22 = arith.constant dense<0x7F800000> : vector<1152xf32>
    %reduce_min3A_23 = vector.multi_reduction <minimumf>, %select_n3A, %reduce_min3A_22 [0] : vector<1024x1152xf32> to vector<1152xf32>
    %broadcast_in_dim3A_24 = vector.shape_cast %reduce_min3A_23 : vector<1152xf32> to vector<1x1152xf32>
    %add3A_25 = arith.constant 0.000000e+00 : f32
    %add3A_26 = vector.broadcast %add3A_25 : f32 to vector<1x1152xf32>
    %add3A_27 = arith.addf %broadcast_in_dim3A_24, %add3A_26 : vector<1x1152xf32>
    %lt3A = arith.cmpf olt, %broadcast_in_dim3A_19, %broadcast_in_dim3A_4 : vector<1x1152xf32>
    %select_n3A_28 = arith.select %lt3A, %broadcast_in_dim3A_19, %broadcast_in_dim3A_4 : vector<1x1152xi1>, vector<1x1152xf32>
    %select_n3A_29 = arith.select %lt3A, %add3A_27, %broadcast_in_dim3A_6 : vector<1x1152xi1>, vector<1x1152xf32>
    %get3A_30 = arith.constant 1024 : index
    %get3A_31 = arith.constant 0 : index
    %get3A_32 = vector.load %arg2[%get3A_30, %get3A_31] : memref<8192x32xf32, #tpu.memory_space<vmem>>, vector<1024x32xf32>
    %mul3A_33 = arith.mulf %get3A_32, %get3A_32 : vector<1024x32xf32>
    %reduce_sum3A_34 = arith.constant dense<0.000000e+00> : vector<1024xf32>
    %reduce_sum3A_35 = vector.multi_reduction <add>, %mul3A_33, %reduce_sum3A_34 [1] : vector<1024x32xf32> to vector<1024xf32>
    %broadcast_in_dim3A_36 = vector.shape_cast %reduce_sum3A_35 : vector<1024xf32> to vector<1024x1xf32>
    %add3A_37 = arith.addf %get3A_32, %get3A_32 : vector<1024x32xf32>
    %dot_general3A_38 = arith.constant dense<0.000000e+00> : vector<1024x1152xf32>
    %dot_general3A_39 = tpu.matmul %add3A_37, %get3A_1, %dot_general3A_38 {dimension_numbers = #tpu.dot_dimension_numbers<[1], [0], [0], [1], [0, 0, 1, 1], [], []>, transpose_lhs_hint = false} : vector<1024x32xf32>, vector<32x1152xf32>, vector<1024x1152xf32> -> vector<1024x1152xf32>
    %add3A_40 = vector.broadcast %broadcast_in_dim3A : vector<1x1152xf32> to vector<1024x1152xf32>
    %add3A_41 = vector.broadcast %broadcast_in_dim3A_36 : vector<1024x1xf32> to vector<1024x1152xf32>
    %add3A_42 = arith.addf %add3A_40, %add3A_41 : vector<1024x1152xf32>
    %sub3A_43 = arith.subf %add3A_42, %dot_general3A_39 : vector<1024x1152xf32>
    %reduce_min3A_44 = arith.constant dense<0x7F800000> : vector<1152xf32>
    %reduce_min3A_45 = vector.multi_reduction <minimumf>, %sub3A_43, %reduce_min3A_44 [0] : vector<1024x1152xf32> to vector<1152xf32>
    %broadcast_in_dim3A_46 = vector.shape_cast %reduce_min3A_45 : vector<1152xf32> to vector<1x1152xf32>
    %eq3A_47 = vector.broadcast %broadcast_in_dim3A_46 : vector<1x1152xf32> to vector<1024x1152xf32>
    %eq3A_48 = arith.cmpf oeq, %sub3A_43, %eq3A_47 : vector<1024x1152xf32>
    %jit3A_49 = arith.constant 0x4B800000 : f32
    %broadcast_in_dim3A_50 = vector.broadcast %jit3A_49 : f32 to vector<1024x1152xf32>
    %select_n3A_51 = arith.select %eq3A_48, %convert_element_type3A, %broadcast_in_dim3A_50 : vector<1024x1152xi1>, vector<1024x1152xf32>
    %reduce_min3A_52 = arith.constant dense<0x7F800000> : vector<1152xf32>
    %reduce_min3A_53 = vector.multi_reduction <minimumf>, %select_n3A_51, %reduce_min3A_52 [0] : vector<1024x1152xf32> to vector<1152xf32>
    %broadcast_in_dim3A_54 = vector.shape_cast %reduce_min3A_53 : vector<1152xf32> to vector<1x1152xf32>
    %add3A_55 = arith.constant 1.024000e+03 : f32
    %add3A_56 = vector.broadcast %add3A_55 : f32 to vector<1x1152xf32>
    %add3A_57 = arith.addf %broadcast_in_dim3A_54, %add3A_56 : vector<1x1152xf32>
    %lt3A_58 = arith.cmpf olt, %broadcast_in_dim3A_46, %select_n3A_28 : vector<1x1152xf32>
    %select_n3A_59 = arith.select %lt3A_58, %broadcast_in_dim3A_46, %select_n3A_28 : vector<1x1152xi1>, vector<1x1152xf32>
    %select_n3A_60 = arith.select %lt3A_58, %add3A_57, %select_n3A_29 : vector<1x1152xi1>, vector<1x1152xf32>
    %get3A_61 = arith.constant 2048 : index
    %get3A_62 = arith.constant 0 : index
    %get3A_63 = vector.load %arg2[%get3A_61, %get3A_62] : memref<8192x32xf32, #tpu.memory_space<vmem>>, vector<1024x32xf32>
    %mul3A_64 = arith.mulf %get3A_63, %get3A_63 : vector<1024x32xf32>
    %reduce_sum3A_65 = arith.constant dense<0.000000e+00> : vector<1024xf32>
    %reduce_sum3A_66 = vector.multi_reduction <add>, %mul3A_64, %reduce_sum3A_65 [1] : vector<1024x32xf32> to vector<1024xf32>
    %broadcast_in_dim3A_67 = vector.shape_cast %reduce_sum3A_66 : vector<1024xf32> to vector<1024x1xf32>
    %add3A_68 = arith.addf %get3A_63, %get3A_63 : vector<1024x32xf32>
    %dot_general3A_69 = arith.constant dense<0.000000e+00> : vector<1024x1152xf32>
    %dot_general3A_70 = tpu.matmul %add3A_68, %get3A_1, %dot_general3A_69 {dimension_numbers = #tpu.dot_dimension_numbers<[1], [0], [0], [1], [0, 0, 1, 1], [], []>, transpose_lhs_hint = false} : vector<1024x32xf32>, vector<32x1152xf32>, vector<1024x1152xf32> -> vector<1024x1152xf32>
    %add3A_71 = vector.broadcast %broadcast_in_dim3A : vector<1x1152xf32> to vector<1024x1152xf32>
    %add3A_72 = vector.broadcast %broadcast_in_dim3A_67 : vector<1024x1xf32> to vector<1024x1152xf32>
    %add3A_73 = arith.addf %add3A_71, %add3A_72 : vector<1024x1152xf32>
    %sub3A_74 = arith.subf %add3A_73, %dot_general3A_70 : vector<1024x1152xf32>
    %reduce_min3A_75 = arith.constant dense<0x7F800000> : vector<1152xf32>
    %reduce_min3A_76 = vector.multi_reduction <minimumf>, %sub3A_74, %reduce_min3A_75 [0] : vector<1024x1152xf32> to vector<1152xf32>
    %broadcast_in_dim3A_77 = vector.shape_cast %reduce_min3A_76 : vector<1152xf32> to vector<1x1152xf32>
    %eq3A_78 = vector.broadcast %broadcast_in_dim3A_77 : vector<1x1152xf32> to vector<1024x1152xf32>
    %eq3A_79 = arith.cmpf oeq, %sub3A_74, %eq3A_78 : vector<1024x1152xf32>
    %jit3A_80 = arith.constant 0x4B800000 : f32
    %broadcast_in_dim3A_81 = vector.broadcast %jit3A_80 : f32 to vector<1024x1152xf32>
    %select_n3A_82 = arith.select %eq3A_79, %convert_element_type3A, %broadcast_in_dim3A_81 : vector<1024x1152xi1>, vector<1024x1152xf32>
    %reduce_min3A_83 = arith.constant dense<0x7F800000> : vector<1152xf32>
    %reduce_min3A_84 = vector.multi_reduction <minimumf>, %select_n3A_82, %reduce_min3A_83 [0] : vector<1024x1152xf32> to vector<1152xf32>
    %broadcast_in_dim3A_85 = vector.shape_cast %reduce_min3A_84 : vector<1152xf32> to vector<1x1152xf32>
    %add3A_86 = arith.constant 2.048000e+03 : f32
    %add3A_87 = vector.broadcast %add3A_86 : f32 to vector<1x1152xf32>
    %add3A_88 = arith.addf %broadcast_in_dim3A_85, %add3A_87 : vector<1x1152xf32>
    %lt3A_89 = arith.cmpf olt, %broadcast_in_dim3A_77, %select_n3A_59 : vector<1x1152xf32>
    %select_n3A_90 = arith.select %lt3A_89, %broadcast_in_dim3A_77, %select_n3A_59 : vector<1x1152xi1>, vector<1x1152xf32>
    %select_n3A_91 = arith.select %lt3A_89, %add3A_88, %select_n3A_60 : vector<1x1152xi1>, vector<1x1152xf32>
    %get3A_92 = arith.constant 3072 : index
    %get3A_93 = arith.constant 0 : index
    %get3A_94 = vector.load %arg2[%get3A_92, %get3A_93] : memref<8192x32xf32, #tpu.memory_space<vmem>>, vector<1024x32xf32>
    %mul3A_95 = arith.mulf %get3A_94, %get3A_94 : vector<1024x32xf32>
    %reduce_sum3A_96 = arith.constant dense<0.000000e+00> : vector<1024xf32>
    %reduce_sum3A_97 = vector.multi_reduction <add>, %mul3A_95, %reduce_sum3A_96 [1] : vector<1024x32xf32> to vector<1024xf32>
    %broadcast_in_dim3A_98 = vector.shape_cast %reduce_sum3A_97 : vector<1024xf32> to vector<1024x1xf32>
    %add3A_99 = arith.addf %get3A_94, %get3A_94 : vector<1024x32xf32>
    %dot_general3A_100 = arith.constant dense<0.000000e+00> : vector<1024x1152xf32>
    %dot_general3A_101 = tpu.matmul %add3A_99, %get3A_1, %dot_general3A_100 {dimension_numbers = #tpu.dot_dimension_numbers<[1], [0], [0], [1], [0, 0, 1, 1], [], []>, transpose_lhs_hint = false} : vector<1024x32xf32>, vector<32x1152xf32>, vector<1024x1152xf32> -> vector<1024x1152xf32>
    %add3A_102 = vector.broadcast %broadcast_in_dim3A : vector<1x1152xf32> to vector<1024x1152xf32>
    %add3A_103 = vector.broadcast %broadcast_in_dim3A_98 : vector<1024x1xf32> to vector<1024x1152xf32>
    %add3A_104 = arith.addf %add3A_102, %add3A_103 : vector<1024x1152xf32>
    %sub3A_105 = arith.subf %add3A_104, %dot_general3A_101 : vector<1024x1152xf32>
    %reduce_min3A_106 = arith.constant dense<0x7F800000> : vector<1152xf32>
    %reduce_min3A_107 = vector.multi_reduction <minimumf>, %sub3A_105, %reduce_min3A_106 [0] : vector<1024x1152xf32> to vector<1152xf32>
    %broadcast_in_dim3A_108 = vector.shape_cast %reduce_min3A_107 : vector<1152xf32> to vector<1x1152xf32>
    %eq3A_109 = vector.broadcast %broadcast_in_dim3A_108 : vector<1x1152xf32> to vector<1024x1152xf32>
    %eq3A_110 = arith.cmpf oeq, %sub3A_105, %eq3A_109 : vector<1024x1152xf32>
    %jit3A_111 = arith.constant 0x4B800000 : f32
    %broadcast_in_dim3A_112 = vector.broadcast %jit3A_111 : f32 to vector<1024x1152xf32>
    %select_n3A_113 = arith.select %eq3A_110, %convert_element_type3A, %broadcast_in_dim3A_112 : vector<1024x1152xi1>, vector<1024x1152xf32>
    %reduce_min3A_114 = arith.constant dense<0x7F800000> : vector<1152xf32>
    %reduce_min3A_115 = vector.multi_reduction <minimumf>, %select_n3A_113, %reduce_min3A_114 [0] : vector<1024x1152xf32> to vector<1152xf32>
    %broadcast_in_dim3A_116 = vector.shape_cast %reduce_min3A_115 : vector<1152xf32> to vector<1x1152xf32>
    %add3A_117 = arith.constant 3.072000e+03 : f32
    %add3A_118 = vector.broadcast %add3A_117 : f32 to vector<1x1152xf32>
    %add3A_119 = arith.addf %broadcast_in_dim3A_116, %add3A_118 : vector<1x1152xf32>
    %lt3A_120 = arith.cmpf olt, %broadcast_in_dim3A_108, %select_n3A_90 : vector<1x1152xf32>
    %select_n3A_121 = arith.select %lt3A_120, %broadcast_in_dim3A_108, %select_n3A_90 : vector<1x1152xi1>, vector<1x1152xf32>
    %select_n3A_122 = arith.select %lt3A_120, %add3A_119, %select_n3A_91 : vector<1x1152xi1>, vector<1x1152xf32>
    %get3A_123 = arith.constant 4096 : index
    %get3A_124 = arith.constant 0 : index
    %get3A_125 = vector.load %arg2[%get3A_123, %get3A_124] : memref<8192x32xf32, #tpu.memory_space<vmem>>, vector<1024x32xf32>
    %mul3A_126 = arith.mulf %get3A_125, %get3A_125 : vector<1024x32xf32>
    %reduce_sum3A_127 = arith.constant dense<0.000000e+00> : vector<1024xf32>
    %reduce_sum3A_128 = vector.multi_reduction <add>, %mul3A_126, %reduce_sum3A_127 [1] : vector<1024x32xf32> to vector<1024xf32>
    %broadcast_in_dim3A_129 = vector.shape_cast %reduce_sum3A_128 : vector<1024xf32> to vector<1024x1xf32>
    %add3A_130 = arith.addf %get3A_125, %get3A_125 : vector<1024x32xf32>
    %dot_general3A_131 = arith.constant dense<0.000000e+00> : vector<1024x1152xf32>
    %dot_general3A_132 = tpu.matmul %add3A_130, %get3A_1, %dot_general3A_131 {dimension_numbers = #tpu.dot_dimension_numbers<[1], [0], [0], [1], [0, 0, 1, 1], [], []>, transpose_lhs_hint = false} : vector<1024x32xf32>, vector<32x1152xf32>, vector<1024x1152xf32> -> vector<1024x1152xf32>
    %add3A_133 = vector.broadcast %broadcast_in_dim3A : vector<1x1152xf32> to vector<1024x1152xf32>
    %add3A_134 = vector.broadcast %broadcast_in_dim3A_129 : vector<1024x1xf32> to vector<1024x1152xf32>
    %add3A_135 = arith.addf %add3A_133, %add3A_134 : vector<1024x1152xf32>
    %sub3A_136 = arith.subf %add3A_135, %dot_general3A_132 : vector<1024x1152xf32>
    %reduce_min3A_137 = arith.constant dense<0x7F800000> : vector<1152xf32>
    %reduce_min3A_138 = vector.multi_reduction <minimumf>, %sub3A_136, %reduce_min3A_137 [0] : vector<1024x1152xf32> to vector<1152xf32>
    %broadcast_in_dim3A_139 = vector.shape_cast %reduce_min3A_138 : vector<1152xf32> to vector<1x1152xf32>
    %eq3A_140 = vector.broadcast %broadcast_in_dim3A_139 : vector<1x1152xf32> to vector<1024x1152xf32>
    %eq3A_141 = arith.cmpf oeq, %sub3A_136, %eq3A_140 : vector<1024x1152xf32>
    %jit3A_142 = arith.constant 0x4B800000 : f32
    %broadcast_in_dim3A_143 = vector.broadcast %jit3A_142 : f32 to vector<1024x1152xf32>
    %select_n3A_144 = arith.select %eq3A_141, %convert_element_type3A, %broadcast_in_dim3A_143 : vector<1024x1152xi1>, vector<1024x1152xf32>
    %reduce_min3A_145 = arith.constant dense<0x7F800000> : vector<1152xf32>
    %reduce_min3A_146 = vector.multi_reduction <minimumf>, %select_n3A_144, %reduce_min3A_145 [0] : vector<1024x1152xf32> to vector<1152xf32>
    %broadcast_in_dim3A_147 = vector.shape_cast %reduce_min3A_146 : vector<1152xf32> to vector<1x1152xf32>
    %add3A_148 = arith.constant 4.096000e+03 : f32
    %add3A_149 = vector.broadcast %add3A_148 : f32 to vector<1x1152xf32>
    %add3A_150 = arith.addf %broadcast_in_dim3A_147, %add3A_149 : vector<1x1152xf32>
    %lt3A_151 = arith.cmpf olt, %broadcast_in_dim3A_139, %select_n3A_121 : vector<1x1152xf32>
    %select_n3A_152 = arith.select %lt3A_151, %broadcast_in_dim3A_139, %select_n3A_121 : vector<1x1152xi1>, vector<1x1152xf32>
    %select_n3A_153 = arith.select %lt3A_151, %add3A_150, %select_n3A_122 : vector<1x1152xi1>, vector<1x1152xf32>
    %get3A_154 = arith.constant 5120 : index
    %get3A_155 = arith.constant 0 : index
    %get3A_156 = vector.load %arg2[%get3A_154, %get3A_155] : memref<8192x32xf32, #tpu.memory_space<vmem>>, vector<1024x32xf32>
    %mul3A_157 = arith.mulf %get3A_156, %get3A_156 : vector<1024x32xf32>
    %reduce_sum3A_158 = arith.constant dense<0.000000e+00> : vector<1024xf32>
    %reduce_sum3A_159 = vector.multi_reduction <add>, %mul3A_157, %reduce_sum3A_158 [1] : vector<1024x32xf32> to vector<1024xf32>
    %broadcast_in_dim3A_160 = vector.shape_cast %reduce_sum3A_159 : vector<1024xf32> to vector<1024x1xf32>
    %add3A_161 = arith.addf %get3A_156, %get3A_156 : vector<1024x32xf32>
    %dot_general3A_162 = arith.constant dense<0.000000e+00> : vector<1024x1152xf32>
    %dot_general3A_163 = tpu.matmul %add3A_161, %get3A_1, %dot_general3A_162 {dimension_numbers = #tpu.dot_dimension_numbers<[1], [0], [0], [1], [0, 0, 1, 1], [], []>, transpose_lhs_hint = false} : vector<1024x32xf32>, vector<32x1152xf32>, vector<1024x1152xf32> -> vector<1024x1152xf32>
    %add3A_164 = vector.broadcast %broadcast_in_dim3A : vector<1x1152xf32> to vector<1024x1152xf32>
    %add3A_165 = vector.broadcast %broadcast_in_dim3A_160 : vector<1024x1xf32> to vector<1024x1152xf32>
    %add3A_166 = arith.addf %add3A_164, %add3A_165 : vector<1024x1152xf32>
    %sub3A_167 = arith.subf %add3A_166, %dot_general3A_163 : vector<1024x1152xf32>
    %reduce_min3A_168 = arith.constant dense<0x7F800000> : vector<1152xf32>
    %reduce_min3A_169 = vector.multi_reduction <minimumf>, %sub3A_167, %reduce_min3A_168 [0] : vector<1024x1152xf32> to vector<1152xf32>
    %broadcast_in_dim3A_170 = vector.shape_cast %reduce_min3A_169 : vector<1152xf32> to vector<1x1152xf32>
    %eq3A_171 = vector.broadcast %broadcast_in_dim3A_170 : vector<1x1152xf32> to vector<1024x1152xf32>
    %eq3A_172 = arith.cmpf oeq, %sub3A_167, %eq3A_171 : vector<1024x1152xf32>
    %jit3A_173 = arith.constant 0x4B800000 : f32
    %broadcast_in_dim3A_174 = vector.broadcast %jit3A_173 : f32 to vector<1024x1152xf32>
    %select_n3A_175 = arith.select %eq3A_172, %convert_element_type3A, %broadcast_in_dim3A_174 : vector<1024x1152xi1>, vector<1024x1152xf32>
    %reduce_min3A_176 = arith.constant dense<0x7F800000> : vector<1152xf32>
    %reduce_min3A_177 = vector.multi_reduction <minimumf>, %select_n3A_175, %reduce_min3A_176 [0] : vector<1024x1152xf32> to vector<1152xf32>
    %broadcast_in_dim3A_178 = vector.shape_cast %reduce_min3A_177 : vector<1152xf32> to vector<1x1152xf32>
    %add3A_179 = arith.constant 5.120000e+03 : f32
    %add3A_180 = vector.broadcast %add3A_179 : f32 to vector<1x1152xf32>
    %add3A_181 = arith.addf %broadcast_in_dim3A_178, %add3A_180 : vector<1x1152xf32>
    %lt3A_182 = arith.cmpf olt, %broadcast_in_dim3A_170, %select_n3A_152 : vector<1x1152xf32>
    %select_n3A_183 = arith.select %lt3A_182, %broadcast_in_dim3A_170, %select_n3A_152 : vector<1x1152xi1>, vector<1x1152xf32>
    %select_n3A_184 = arith.select %lt3A_182, %add3A_181, %select_n3A_153 : vector<1x1152xi1>, vector<1x1152xf32>
    %get3A_185 = arith.constant 6144 : index
    %get3A_186 = arith.constant 0 : index
    %get3A_187 = vector.load %arg2[%get3A_185, %get3A_186] : memref<8192x32xf32, #tpu.memory_space<vmem>>, vector<1024x32xf32>
    %mul3A_188 = arith.mulf %get3A_187, %get3A_187 : vector<1024x32xf32>
    %reduce_sum3A_189 = arith.constant dense<0.000000e+00> : vector<1024xf32>
    %reduce_sum3A_190 = vector.multi_reduction <add>, %mul3A_188, %reduce_sum3A_189 [1] : vector<1024x32xf32> to vector<1024xf32>
    %broadcast_in_dim3A_191 = vector.shape_cast %reduce_sum3A_190 : vector<1024xf32> to vector<1024x1xf32>
    %add3A_192 = arith.addf %get3A_187, %get3A_187 : vector<1024x32xf32>
    %dot_general3A_193 = arith.constant dense<0.000000e+00> : vector<1024x1152xf32>
    %dot_general3A_194 = tpu.matmul %add3A_192, %get3A_1, %dot_general3A_193 {dimension_numbers = #tpu.dot_dimension_numbers<[1], [0], [0], [1], [0, 0, 1, 1], [], []>, transpose_lhs_hint = false} : vector<1024x32xf32>, vector<32x1152xf32>, vector<1024x1152xf32> -> vector<1024x1152xf32>
    %add3A_195 = vector.broadcast %broadcast_in_dim3A : vector<1x1152xf32> to vector<1024x1152xf32>
    %add3A_196 = vector.broadcast %broadcast_in_dim3A_191 : vector<1024x1xf32> to vector<1024x1152xf32>
    %add3A_197 = arith.addf %add3A_195, %add3A_196 : vector<1024x1152xf32>
    %sub3A_198 = arith.subf %add3A_197, %dot_general3A_194 : vector<1024x1152xf32>
    %reduce_min3A_199 = arith.constant dense<0x7F800000> : vector<1152xf32>
    %reduce_min3A_200 = vector.multi_reduction <minimumf>, %sub3A_198, %reduce_min3A_199 [0] : vector<1024x1152xf32> to vector<1152xf32>
    %broadcast_in_dim3A_201 = vector.shape_cast %reduce_min3A_200 : vector<1152xf32> to vector<1x1152xf32>
    %eq3A_202 = vector.broadcast %broadcast_in_dim3A_201 : vector<1x1152xf32> to vector<1024x1152xf32>
    %eq3A_203 = arith.cmpf oeq, %sub3A_198, %eq3A_202 : vector<1024x1152xf32>
    %jit3A_204 = arith.constant 0x4B800000 : f32
    %broadcast_in_dim3A_205 = vector.broadcast %jit3A_204 : f32 to vector<1024x1152xf32>
    %select_n3A_206 = arith.select %eq3A_203, %convert_element_type3A, %broadcast_in_dim3A_205 : vector<1024x1152xi1>, vector<1024x1152xf32>
    %reduce_min3A_207 = arith.constant dense<0x7F800000> : vector<1152xf32>
    %reduce_min3A_208 = vector.multi_reduction <minimumf>, %select_n3A_206, %reduce_min3A_207 [0] : vector<1024x1152xf32> to vector<1152xf32>
    %broadcast_in_dim3A_209 = vector.shape_cast %reduce_min3A_208 : vector<1152xf32> to vector<1x1152xf32>
    %add3A_210 = arith.constant 6.144000e+03 : f32
    %add3A_211 = vector.broadcast %add3A_210 : f32 to vector<1x1152xf32>
    %add3A_212 = arith.addf %broadcast_in_dim3A_209, %add3A_211 : vector<1x1152xf32>
    %lt3A_213 = arith.cmpf olt, %broadcast_in_dim3A_201, %select_n3A_183 : vector<1x1152xf32>
    %select_n3A_214 = arith.select %lt3A_213, %broadcast_in_dim3A_201, %select_n3A_183 : vector<1x1152xi1>, vector<1x1152xf32>
    %select_n3A_215 = arith.select %lt3A_213, %add3A_212, %select_n3A_184 : vector<1x1152xi1>, vector<1x1152xf32>
    %get3A_216 = arith.constant 7168 : index
    %get3A_217 = arith.constant 0 : index
    %get3A_218 = vector.load %arg2[%get3A_216, %get3A_217] : memref<8192x32xf32, #tpu.memory_space<vmem>>, vector<1024x32xf32>
    %mul3A_219 = arith.mulf %get3A_218, %get3A_218 : vector<1024x32xf32>
    %reduce_sum3A_220 = arith.constant dense<0.000000e+00> : vector<1024xf32>
    %reduce_sum3A_221 = vector.multi_reduction <add>, %mul3A_219, %reduce_sum3A_220 [1] : vector<1024x32xf32> to vector<1024xf32>
    %broadcast_in_dim3A_222 = vector.shape_cast %reduce_sum3A_221 : vector<1024xf32> to vector<1024x1xf32>
    %add3A_223 = arith.addf %get3A_218, %get3A_218 : vector<1024x32xf32>
    %dot_general3A_224 = arith.constant dense<0.000000e+00> : vector<1024x1152xf32>
    %dot_general3A_225 = tpu.matmul %add3A_223, %get3A_1, %dot_general3A_224 {dimension_numbers = #tpu.dot_dimension_numbers<[1], [0], [0], [1], [0, 0, 1, 1], [], []>, transpose_lhs_hint = false} : vector<1024x32xf32>, vector<32x1152xf32>, vector<1024x1152xf32> -> vector<1024x1152xf32>
    %add3A_226 = vector.broadcast %broadcast_in_dim3A : vector<1x1152xf32> to vector<1024x1152xf32>
    %add3A_227 = vector.broadcast %broadcast_in_dim3A_222 : vector<1024x1xf32> to vector<1024x1152xf32>
    %add3A_228 = arith.addf %add3A_226, %add3A_227 : vector<1024x1152xf32>
    %sub3A_229 = arith.subf %add3A_228, %dot_general3A_225 : vector<1024x1152xf32>
    %reduce_min3A_230 = arith.constant dense<0x7F800000> : vector<1152xf32>
    %reduce_min3A_231 = vector.multi_reduction <minimumf>, %sub3A_229, %reduce_min3A_230 [0] : vector<1024x1152xf32> to vector<1152xf32>
    %broadcast_in_dim3A_232 = vector.shape_cast %reduce_min3A_231 : vector<1152xf32> to vector<1x1152xf32>
    %eq3A_233 = vector.broadcast %broadcast_in_dim3A_232 : vector<1x1152xf32> to vector<1024x1152xf32>
    %eq3A_234 = arith.cmpf oeq, %sub3A_229, %eq3A_233 : vector<1024x1152xf32>
    %jit3A_235 = arith.constant 0x4B800000 : f32
    %broadcast_in_dim3A_236 = vector.broadcast %jit3A_235 : f32 to vector<1024x1152xf32>
    %select_n3A_237 = arith.select %eq3A_234, %convert_element_type3A, %broadcast_in_dim3A_236 : vector<1024x1152xi1>, vector<1024x1152xf32>
    %reduce_min3A_238 = arith.constant dense<0x7F800000> : vector<1152xf32>
    %reduce_min3A_239 = vector.multi_reduction <minimumf>, %select_n3A_237, %reduce_min3A_238 [0] : vector<1024x1152xf32> to vector<1152xf32>
    %broadcast_in_dim3A_240 = vector.shape_cast %reduce_min3A_239 : vector<1152xf32> to vector<1x1152xf32>
    %add3A_241 = arith.constant 7.168000e+03 : f32
    %add3A_242 = vector.broadcast %add3A_241 : f32 to vector<1x1152xf32>
    %add3A_243 = arith.addf %broadcast_in_dim3A_240, %add3A_242 : vector<1x1152xf32>
    %lt3A_244 = arith.cmpf olt, %broadcast_in_dim3A_232, %select_n3A_214 : vector<1x1152xf32>
    %select_n3A_245 = arith.select %lt3A_244, %broadcast_in_dim3A_232, %select_n3A_214 : vector<1x1152xi1>, vector<1x1152xf32>
    %select_n3A_246 = arith.select %lt3A_244, %add3A_243, %select_n3A_215 : vector<1x1152xi1>, vector<1x1152xf32>
    %convert_element_type3A_247 = arith.fptosi %select_n3A_246 : vector<1x1152xf32> to vector<1x1152xi32>
    %reshape3A = vector.shape_cast %convert_element_type3A_247 : vector<1x1152xi32> to vector<1x1x1152xi32>
    %swap3A = arith.constant 0 : index
    %swap3A_248 = arith.constant 0 : index
    %swap3A_249 = arith.constant 0 : index
    %swap3A_250 = vector.load %arg3[%swap3A, %swap3A_248, %swap3A_249] : memref<1x1x1152xi32, #tpu.memory_space<vmem>>, vector<1x1x1152xi32>
    tpu.vector_store %arg3[%swap3A, %swap3A_248, %swap3A_249], %reshape3A {strides = array<i32>} : memref<1x1x1152xi32, #tpu.memory_space<vmem>>, vector<1x1x1152xi32>,
    %eq3A_251 = arith.constant 0 : i32
    %eq3A_252 = arith.cmpi eq, %arg0, %eq3A_251 : i32
    %convert_element_type3A_253 = arith.extui %eq3A_252 : i1 to i32
    %cond3A = arith.constant 0 : i32
    %cond3A_254 = arith.cmpi ne, %convert_element_type3A_253, %cond3A : i32
    scf.if %cond3A_254 {
      %broadcast_in_dim3A_268 = arith.constant 0.000000e+00 : f32
      %broadcast_in_dim3A_269 = vector.broadcast %broadcast_in_dim3A_268 : f32 to vector<1x1xf32>
      %swap3A_270 = arith.constant 0 : index
      %swap3A_271 = arith.constant 0 : index
      %swap3A_272 = vector.load %arg4[%swap3A_270, %swap3A_271] : memref<1x1xf32, #tpu.memory_space<vmem>>, vector<1x1xf32>
      tpu.vector_store %arg4[%swap3A_270, %swap3A_271], %broadcast_in_dim3A_269 {strides = array<i32>} : memref<1x1xf32, #tpu.memory_space<vmem>>, vector<1x1xf32>,
    } else {
    }
    %get3A_255 = arith.constant 0 : index
    %get3A_256 = arith.constant 0 : index
    %get3A_257 = vector.load %arg4[%get3A_255, %get3A_256] : memref<1x1xf32, #tpu.memory_space<vmem>>, vector<1x1xf32>
    %reduce_sum3A_258 = vector.shape_cast %select_n3A_245 : vector<1x1152xf32> to vector<1x1x1152xf32>
    %reduce_sum3A_259 = arith.constant dense<0.000000e+00> : vector<1xf32>
    %reduce_sum3A_260 = vector.multi_reduction <add>, %reduce_sum3A_258, %reduce_sum3A_259 [1, 2] : vector<1x1x1152xf32> to vector<1xf32>
    %reduce_sum3A_261 = vector.shape_cast %reduce_sum3A_260 : vector<1xf32> to vector<1x1x1xf32>
    %reduce_sum3A_262 = vector.extract %reduce_sum3A_261[0, 0, 0] : f32 from vector<1x1x1xf32>
    %reshape3A_263 = vector.broadcast %reduce_sum3A_262 : f32 to vector<1x1xf32>
    %add3A_264 = arith.addf %get3A_257, %reshape3A_263 : vector<1x1xf32>
    %swap3A_265 = arith.constant 0 : index
    %swap3A_266 = arith.constant 0 : index
    %swap3A_267 = vector.load %arg4[%swap3A_265, %swap3A_266] : memref<1x1xf32, #tpu.memory_space<vmem>>, vector<1x1xf32>
    tpu.vector_store %arg4[%swap3A_265, %swap3A_266], %add3A_264 {strides = array<i32>} : memref<1x1xf32, #tpu.memory_space<vmem>>, vector<1x1xf32>,
    return
  }
  func.func @transform_0(%arg0: i32) -> (i32, i32) {
    %c0_i32 = arith.constant 0 : i32
    %c0_i32_0 = arith.constant 0 : i32
    return %c0_i32, %arg0 : i32, i32
  }
  func.func @transform_1(%arg0: i32) -> (i32, i32) {
    %c0_i32 = arith.constant 0 : i32
    %c0_i32_0 = arith.constant 0 : i32
    %c0_i32_1 = arith.constant 0 : i32
    return %c0_i32, %c0_i32_0 : i32, i32
  }
  func.func @transform_2(%arg0: i32) -> (i32, i32, i32) {
    %c0_i32 = arith.constant 0 : i32
    %c0_i32_0 = arith.constant 0 : i32
    %c0_i32_1 = arith.constant 0 : i32
    return %arg0, %c0_i32, %c0_i32_0 : i32, i32, i32
  }
  func.func @transform_3(%arg0: i32) -> (i32, i32) {
    %c0_i32 = arith.constant 0 : i32
    %c0_i32_0 = arith.constant 0 : i32
    %c0_i32_1 = arith.constant 0 : i32
    return %c0_i32, %c0_i32_0 : i32, i32
  }
}

</mosaic_0001>

<sc_bundles>
// kernel: kernel.4.cloned.1.call-start
scs
__scs_entry_jumppad:
0x0: {  	(pc) =	sbr.rel $0x88, $3  }
0x1: {  	(tag) =	ssettag $0x0;
	lr =	simm.s32 $0x1  }
0x2: {  	[smem:$0x3F9F] =	sst lr;
	_ =	strace $0xD0000000  }
0x3: {  	_ = 	snop  }
0x4: {  	_ = 	snop  }
0x5: {  	_ = 	snop  }
0x6: {  	_ = 	snop  }
0x7: {  	_ = 	snop  }
__scs_overlays_trampoline_lowered:
0x8: {  	[smem:$0x3FAE] =	sst s0  }
0x9: {  	[smem:$0x3FAF] =	sst s1  }
0xa: {  	[smem:$0x3FB0] =	sst s2  }
0xb: {  	[smem:$0x3FB1] =	sst s3  }
0xc: {  	[smem:$0x3FB2] =	sst s4  }
0xd: {  	[smem:$0x3FB3] =	sst s5  }
0xe: {  	[smem:$0x3FB4] =	sst s6  }
0xf: {  	[smem:$0x3FB5] =	sst s7  }
0x10: {  	[smem:$0x3FB6] =	sst s8  }
0x11: {  	[smem:$0x3FB7] =	sst s9;
	s0 =	simm.s32 @!p0 $0x0  }
0x12: {  	s1 =	sld [smem:$0x3F9D];
	s0 =	simm.s32 @p0 $0x1  }
0x13: {  	[smem:$0x3FB8] =	sst s0;
	s0 =	simm.s32 @!p1 $0x0  }
0x14: {  	s2 =	sld [smem:$0x3F9C];
	s0 =	simm.s32 @p1 $0x1  }
0x15: {  	[smem:$0x3FB9] =	sst s0;
	s0 =	simm.s32 @!p2 $0x0  }
0x16: {  	s3 =	sld [smem:$0x3FDB];
	s0 =	simm.s32 @p2 $0x1  }
0x17: {  	s4 =	simm.s32 $0x1BF5;
	[smem:$0x3FBB] =	sst s0  }
0x18: {  	s0 =	sld [smem:$0x3F9E];
	_ =	swait.ge [sflag:s4], $0x0  }
0x19: {  	s7 =	sld [smem:$0x3F9F]  }
0x1a: {  	s8 =	sadd.s32 $0xFFFFE003, lr  }
0x1b: {  	s9 =	sadd.s32 $0xFFFFFEF7, lr;
	s5 =	simm.s32 $0xFFFFFFFF;
	p2 =	slt.u32 s8, $0xFFFFF086  }
0x1c: {  	p1 =	slt.u32 s9, $0xF7A;
	s5 =	simm.s32 @!p2 $0x0  }
0x1d: {  	s5 =	simm.s32 @p1 $0x1;
	p0 =	seq.s32 s7, s2  }
0x1e: {  	s7 =	smul.u32 @!p0 $0xF7A, s2;
	p2 =	seq.s32 @!p0 s5, $0x0  }
0x1f: {  	s9 =	smul.u32 $0xF7A, s1;
	s8 =	simm.s32 @!p0 $0x1BF5;
	p2 =	por !p2, p0  }
0x20: {  	[sflag:s8] =	ssyncset.s32 @!p0 $0xFFFFF086;
	s6 =	sadd.s32 @!p0 s3, s7;
	s7 =	simm.s32 @!p0 $0x108  }
0x21: {  	s3 =	sadd.s32 s3, s9;
	s6 =	sadd.s32 @!p0 $0x88, s6;
	s7 =	simm.s32 @p2 $0x1082  }
0x22: {  	[simem:s7], [sflag:s8] =	dma.local @!p0 [hbm:s6], $0xF7A  }
0x23: {  	s9 =	sor.u32 $0xD0000000, s2;
	s6 =	simm.s32 $0x108;
	_ =	swait.ge @!p0 [sflag:s8], $0x0  }
0x24: {  	s3 =	sadd.s32 $0x88, s3;
	s6 =	simm.s32 @!p1 $0x1082;
	[sflag:s4] =	ssyncset.s32 $0xFFFFF086  }
0x25: {  	[simem:s6], [sflag:s4] =	dma.local [hbm:s3], $0xF7A  }
0x26: {  	[smem:$0x3F9F] =	sst s1;
	(tag) =	ssettag s2;
	_ =	strace s9  }
0x27: {  	s1 =	sld [smem:$0x3FAF]  }
0x28: {  	s2 =	sld [smem:$0x3FB0]  }
0x29: {  	s4 =	sld [smem:$0x3FB2]  }
0x2a: {  	p0 =	seq.s32 s5, $0x0;
	s5 =	sld [smem:$0x3FB3]  }
0x2b: {  	s6 =	sld [smem:$0x3FB4]  }
0x2c: {  	s7 =	sld [smem:$0x3FB5]  }
0x2d: {  	s3 =	simm.s32 $0x108;
	s8 =	sld [smem:$0x3FB6]  }
0x2e: {  	s3 =	simm.s32 @!p0 $0x1082;
	s9 =	sld [smem:$0x3FB7]  }
0x2f: {  	lr =	sadd.s32 s0, s3;
	s0 =	sld [smem:$0x3FAE]  }
0x30: {  	s3 =	sld [smem:$0x3FB1]  }
0x31: {  	[smem:$0x3FBA] =	sst s10  }
0x32: {  	s10 =	sld [smem:$0x3FB8];
	_ =	sdelay $0x3  }
0x33: {  	p0 =	seq.s32 s10, $0x1;
	s10 =	sld [smem:$0x3FBA];
	_ =	sdelay $0x3  }
0x34: {  	[smem:$0x3FBA] =	sst s10  }
0x35: {  	s10 =	sld [smem:$0x3FB9];
	_ =	sdelay $0x3  }
0x36: {  	p1 =	seq.s32 s10, $0x1;
	s10 =	sld [smem:$0x3FBA];
	_ =	sdelay $0x3  }
0x37: {  	[smem:$0x3FBA] =	sst s10  }
0x38: {  	s10 =	sld [smem:$0x3FBB]  }
0x39: {  	_ = 	snop;
	(pc) =	sbr.ind lr, $3  }
0x3a: {  	_ = 	snop  }
0x3b: {  	_ = 	snop  }
0x3c: {  	p2 =	seq.s32 s10, $0x1;
	s10 =	sld [smem:$0x3FBA]  }
0x3d: {  	_ =	shalt  }
0x3e: {  	_ =	shalt  }
0x3f: {  	_ =	shalt  }
0x40: {  	_ =	shalt  }
0x41: {  	_ =	shalt  }
0x42: {  	_ =	shalt  }
0x43: {  	_ =	shalt  }
0x44: {  	_ =	shalt  }
0x45: {  	_ =	shalt  }
0x46: {  	_ =	shalt  }
0x47: {  	_ =	shalt  }
0x48: {  	_ =	shalt  }
0x49: {  	_ =	shalt  }
0x4a: {  	_ =	shalt  }
0x4b: {  	_ =	shalt  }
0x4c: {  	_ =	shalt  }
0x4d: {  	_ =	shalt  }
0x4e: {  	_ =	shalt  }
0x4f: {  	_ =	shalt  }
0x50: {  	_ =	shalt  }
0x51: {  	_ =	shalt  }
0x52: {  	_ =	shalt  }
0x53: {  	_ =	shalt  }
0x54: {  	_ =	shalt  }
0x55: {  	_ =	shalt  }
0x56: {  	_ =	shalt  }
0x57: {  	_ =	shalt  }
0x58: {  	_ =	shalt  }
0x59: {  	_ =	shalt  }
0x5a: {  	_ =	shalt  }
0x5b: {  	_ =	shalt  }
0x5c: {  	_ =	shalt  }
0x5d: {  	_ =	shalt  }
0x5e: {  	_ =	shalt  }
0x5f: {  	_ =	shalt  }
0x60: {  	_ =	shalt  }
0x61: {  	_ =	shalt  }
0x62: {  	_ =	shalt  }
0x63: {  	_ =	shalt  }
0x64: {  	_ =	shalt  }
0x65: {  	_ =	shalt  }
0x66: {  	_ =	shalt  }
0x67: {  	_ =	shalt  }
0x68: {  	_ =	shalt  }
0x69: {  	_ =	shalt  }
0x6a: {  	_ =	shalt  }
0x6b: {  	_ =	shalt  }
0x6c: {  	_ =	shalt  }
0x6d: {  	_ =	shalt  }
0x6e: {  	_ =	shalt  }
0x6f: {  	_ =	shalt  }
0x70: {  	_ =	shalt  }
0x71: {  	_ =	shalt  }
0x72: {  	_ =	shalt  }
0x73: {  	_ =	shalt  }
0x74: {  	_ =	shalt  }
0x75: {  	_ =	shalt  }
0x76: {  	_ =	shalt  }
0x77: {  	_ =	shalt  }
0x78: {  	_ =	shalt  }
0x79: {  	_ =	shalt  }
0x7a: {  	_ =	shalt  }
0x7b: {  	_ =	shalt  }
0x7c: {  	_ =	shalt  }
0x7d: {  	_ =	shalt  }
0x7e: {  	_ =	shalt  }
0x7f: {  	_ =	shalt  }
0x80: {  	_ =	shalt  }
0x81: {  	_ =	shalt  }
0x82: {  	_ =	shalt  }
0x83: {  	_ =	shalt  }
0x84: {  	_ =	shalt  }
0x85: {  	_ =	shalt  }
0x86: {  	_ =	shalt  }
0x87: {  	_ =	shalt  }
.Lfunc_end0:
.L_simem_size_0:
called_computation_lowered:
.L_overlay_start_0:
0x88: {  	s2 =	sld [smem:$0x3FD9]  }
0x89: {  	s3 =	sld [smem:$0x3FFE];
	_ =	sdelay $0x1  }
0x8a: {  	s1 =	srdreg.scid  }
0x8b: {  	s0 =	sand.u32 $0x1, s1  }
0x8c: {  	s14 =	sshll.u32 s0, $0xA;
	s2 =	sadd.s32 s3, s2  }
0x8d: {  	s2 =	sadd.s32 s2, s14  }
0x8e: {  	[smem:$0x3FC6] =	sst s2  }
0x8f: {  	_ = 	snop  }
0x90: {  	s2 =	sld [smem:$0x3FD0];
	_ =	sdelay $0x2  }
0x91: {  	s15 =	simm.s32 $0xA;
	s4 =	simm.s32 $0x10  }
0x92: {  	[smem:s4], [sflag:s15] =	dma.local [hbm:s2], $0x1  }
0x93: {  	_ =	swait.eq [sflag:s15], $0x1  }
0x94: {  	[sflag:s15] =	ssyncset.done $0x0  }
0x95: {  	[sflag:s15] =	ssyncadd.s32 $0xFFFFFFFF  }
0x96: {  	s16 =	sld [smem:$0x10];
	(tm) =	ssettm $0x1  }
0x97: {  	s17 =	sld [smem:$0x3FFB];
	_ =	sdelay $0x3  }
0x98: {  	_ =	strace s17  }
0x99: {  	s3 =	sld [smem:$0x3FFC];
	_ =	sdelay $0x3  }
0x9a: {  	_ =	strace s3  }
0x9b: {  	s3 =	sld [smem:$0x3FFD];
	_ =	sdelay $0x3  }
0x9c: {  	_ =	strace s3  }
0x9d: {  	_ =	strace $0x8FFFFFFF  }
0x9e: {  	s18 =	sld [smem:$0x3FDB];
	_ =	sdelay $0x1  }
0x9f: {  	s19 =	simm.s32 $_scs_section_size  }
0xa0: {  	s5 =	simm.s32 $_size__tile_overlayer_lowered;
	s6 =	simm.s32 $_tile_overlayer_lowered  }
0xa1: {  	s22 =	simm.s32 $0x1BFF;
	s21 =	sshll.u32 s6, $0x1;
	s3 =	sadd.s32 s19, s18  }
0xa2: {  	s7 =	simm.s32 $0x0;
	s20 =	sshll.u32 s5, $0x1;
	s5 =	sadd.s32 s21, s3  }
0xa3: {  	[timem:s7], [sflag:s22] =	dma.local [hbm:s5], s20  }
0xa4: {  	_ =	swait.ge [sflag:s22], s20  }
0xa5: {  	s4 =	ssub.s32 $0x0, s20;
	[sflag:s22] =	ssyncset.done $0x0  }
0xa6: {  	[sflag:s22] =	ssyncadd.s32 s4;
	_ =	sdelay $0x1  }
0xa7: {  	s23 =	simm.s32 $0x1B8B  }
0xa8: {  	_ =	swait.ge [sflag:s23], $0x1  }
0xa9: {  	[sflag:s23] =	ssyncset.done $0x0  }
0xaa: {  	s25 =	simm.s32 $0x1B8E;
	s24 =	sld [smem:$0x3FFE];
	[sflag:s23] =	ssyncadd.s32 $0xFFFFFFFF  }
0xab: {  	s26 =	simm.s32 $execute0_lowered;
	[smem:$0x3FD2] =	sst s25  }
0xac: {  	s5 =	sshll.u32 s26, $0x1;
	_ =	strace $0x80000046;
	[dreg:$0x1] =	wrdreg $0xFFFFFFFF  }
0xad: {  	s28 =	simm.s32 $_size_execute0_lowered;
	s3 =	sadd.s32 s3, s5;
	[dreg:$0x0] =	wrdreg $0x0  }
0xae: {  	s5 =	sshll.u32 s28, $0x1;
	[dreg:$0x2] =	wrdreg s3  }
0xaf: {  	[dreg:$0x3] =	wrdreg s5  }
0xb0: {  	[dreg:$0x4] =	wrdreg $0xC0  }
0xb1: {  	_ =	task [dreg:s7], $0x5FFFF  }
0xb2: {  	[dreg:$0x1] =	wrdreg $0xFFFFFFFF  }
0xb3: {  	[dreg:$0x0] =	wrdreg $0x60  }
0xb4: {  	[dreg:$0x2] =	wrdreg s24  }
0xb5: {  	[dreg:$0x3] =	wrdreg s16  }
0xb6: {  	[dreg:$0x4] =	wrdreg $0x9  }
0xb7: {  	_ =	task.clear_ibuf [dreg:s7], $0x5FFFF;
	_ =	strace $0x90000046  }
0xb8: {  	s29 =	simm.s32 $0x9;
	_ =	strace $0x80000048  }
0xb9: {  	_ =	swait.ge [sflag:s29], $0x1  }
0xba: {  	[sflag:s29] =	ssyncadd.s32 $0xFFFFFFFF  }
0xbb: {  	_ =	strace $0x90000048  }
0xbc: {  	_ =	sfence  }
0xbd: {  	s30 =	sld [smem:$0x0];
	_ =	sdelay $0x2  }
0xbe: {  	s31 =	sshll.u32 s1, $0xD;
	s1 =	sshrl.u32 s1, $0x2  }
0xbf: {  	s3 =	sand.u32 $0x4000, s31;
	s1 =	sadd.s32 s1, s30  }
0xc0: {  	s0 =	sor.u32 s3, s0;
	s1 =	sshll.u32 s1, $0x11  }
0xc1: {  	s0 =	sor.u32 s1, s0  }
0xc2: {  	s0 =	sadd.s32 $0x8F2B, s0  }
0xc3: {  	[sflag:s0] =	ssyncadd.remote.s32 $0x1  }
0xc4: {  	_ =	sfence.sel $0xFFFF  }
0xc5: {  	[dreg:$0x0] =	wrdreg $0xFFFFFFFF;
	(pc) =	sbr.abs _section_cstart, $3  }
0xc6: {  	[dreg:$0x1] =	wrdreg $0xFFFFFFFF  }
0xc7: {  	_ =	task.clear_ibuf [dreg:s7], $0x2FFFF;
	_ =	strace $0x9FFFFFFF  }
0xc8: {  	(tm) =	ssettm $0x7FFFFFFF  }
0xc9: {  	_ =	shalt  }
tec
execute0_lowered:
.L_overlay_start_1:
0x0: {  	(tag) =	ssettag $0x1  }
0x1: {  	s1 =	srdreg.scid;
	s4 =	rddreg [dreg:$0x0]  }
0x2: {  	s0 =	stileid.u32;
	s5 =	rddreg [dreg:$0x1]  }
0x3: {  	s2 =	simm.s32 $0x0;
	s3 =	sand.u32 $0x1, s1;
	s31 =	sshll.u32 s0, $0x1  }
0x4: {  	s11 =	simm.s32 $0x1;
	s12 =	simm.s32 $0x0;
	s6 =	sor.u32 s3, s31  }
0x5: {  	s1 =	rddreg [dreg:$0x2];
	s8 =	ssub.s32 $0x2, s3;
	s7 =	smul.u32 $0x24, s6  }
0x6: {  	[smem:$0x7FF] =	sst s2;
	s6 =	smul.u32 $0x480, s6;
	s9 =	sshrl.u32 s8, $0x1  }
0x7: {  	_ =	strace $0x80000047;
	s3 =	sadd.s32 $0xA00, s4;
	s8 =	ssub.s32 s8, s9  }
0x8: {  	s9 =	simm.s32 $0x120;
	s7 =	sadd.s32 s7, s4;
	s10 =	sadd.s32 s6, s4  }
0x9: {  	s5 =	sadd.s32 s5, s6;
	s4 =	sadd.s32 $0x8A00, s7;
	s6 =	sadd.s32 $0x9000, s10  }
0xa: {  	s7 =	smax.u32 s8, $0x1;
	s8 =	simm.s32 $0x2;
	s10 =	simm.s32 $0x2520  }
.LBB2_1:
0xb: {  	[tilespmem:s2], [sflag:$0x2] =	stream.linear.gather [hbm4b:s4+s2], $0x120, $0x38;
	[tilespmem:$0x4920] =	vst v63  }
0xc: {  	_ =	swait.ge [sflag:s8], $0x120  }
0xd: {  	[sflag:s8] =	ssyncset.done $0x0  }
0xe: {  	[sflag:s8] =	ssyncadd.s32 $0xFFFFFEE0  }
0xf: {  	[tilespmem:s9], [sflag:$0x1] =	stream.indirect.gather [hbm4b:s3+s9], $0x20, s2, s9, $0xb8;
	[tilespmem:$0x4920] =	vst v63  }
0x10: {  	_ = 	snop  }
0x11: {  	[tilespmem:s10], [sflag:$0x2] =	stream.linear.gather [hbm4b:s5+s2], $0x2400, $0x38;
	[tilespmem:$0x4920] =	vst v63  }
0x12: {  	_ =	swait.ge [sflag:s8], $0x2400  }
0x13: {  	[sflag:s8] =	ssyncset.done $0x0  }
0x14: {  	[sflag:s8] =	ssyncadd.s32 $0xFFFFDC00  }
0x15: {  	_ =	swait.ge [sflag:s11], $0x2400  }
0x16: {  	[sflag:s11] =	ssyncset.done $0x0  }
0x17: {  	s13 =	simm.s32 $0x0;
	[sflag:s11] =	ssyncadd.s32 $0xFFFFDC00  }
0x18: {  	v0 =	vld [tilespmem:s13+$0x2520]  }
0x19: {  	v1 =	vld [tilespmem:s13+$0x2530]  }
0x1a: {  	s14 =	simm.s32 $0x80;
	v2 =	vld [tilespmem:s13+$0x120]  }
.LBB2_2:
0x1b: {  	p0 =	sne.s32 s14, $0x8F80;
	v3 =	vld [tilespmem:s13+$0x130];
	_ =	sdelay $0x3  }
0x1c: {  	v2 =	vsub.f32 v2, v0  }
.Ltmp0:
0x1d: {  	v3 =	vsub.f32 v3, v1;
	(pc) =	sbr.rel @p0 .LBB2_2-.Ltmp0, $4  }
0x1e: {  	s15 =	sshra.s32 s14, $0x2;
	v2 =	vadd.f32 v2, v0  }
0x1f: {  	v0 =	vld [tilespmem:s15+$0x2520];
	v3 =	vadd.f32 v3, v1  }
0x20: {  	v1 =	vld [tilespmem:s15+$0x2530];
	[tilespmem:s13+$0x120] =	vst v2  }
0x21: {  	s14 =	sadd.s32 $0x80, s14;
	v2 =	vld [tilespmem:s15+$0x120];
	[tilespmem:s13+$0x130] =	vst v3;
	s13 =	smov.u32 s15  }
0x22: {  	v3 =	vld [tilespmem:s13+$0x130];
	_ =	sdelay $0x3  }
0x23: {  	v2 =	vsub.f32 v2, v0  }
0x24: {  	v3 =	vsub.f32 v3, v1  }
0x25: {  	v0 =	vadd.f32 v2, v0  }
0x26: {  	s12 =	sadd.s32 $0x1, s12;
	v1 =	vadd.f32 v3, v1  }
0x27: {  	p0 =	sne.s32 s12, s7;
	[tilespmem:s13+$0x120] =	vst v0  }
.Ltmp1:
0x28: {  	[tilespmem:s13+$0x130] =	vst v1;
	(pc) =	sbr.rel @p0 .LBB2_1-.Ltmp1, $4  }
0x29: {  	[hbm4b:s6+s2] =	stream.linear.scatter [tilespmem:s9], [sflag:$0x2], $0x2400, $0x38;
	[tilespmem:$0x4920] =	vst v63  }
0x2a: {  	_ =	swait.ge [sflag:s8], $0x2400  }
0x2b: {  	[sflag:s8] =	ssyncset.done $0x0  }
0x2c: {  	[sflag:s8] =	ssyncadd.s32 $0xFFFFDC00  }
0x2d: {  	_ =	sfence.sel $0x180000  }
0x2e: {  	[bflag:$0x0] =	sbarrier.arrive $0xFFFF  }
0x2f: {  	p0 =	sne.s32 s0, $0x0;
	_ =	strace $0x90000047  }
0x30: {  	s0 =	sadd.s32 @!p0 $0x100000, s1;
	[bflag:$0x2] =	sbarrier.arrive $0xFFFF  }
0x31: {  	[sflag:s0] =	ssyncadd.tile.s32 @!p0 $0x1;
	_ =	shalt  }
.Lfunc_end2:
_tile_overlayer_lowered:
.L_overlay_start_2:
0x32: {  	(tag) =	ssettag $0x2  }
0x33: {  	s0 =	rddreg [dreg:$0x0];
	s2 =	stileid.u32  }
0x34: {  	s1 =	rddreg [dreg:$0x1];
	p0 =	sne.s32 s2, $0x0  }
0x35: {  	s3 =	rddreg [dreg:$0x2];
	[bflag:$0x3] =	sbarrier.arrive $0xFFFF;
	s2 =	simm.s32 @!p0 $0x1C02  }
0x36: {  	[timem:s3], [sflag:s2] =	dma.local @!p0 [hbm:s0], s1  }
0x37: {  	s0 =	simm.s32 @!p0 $0x2  }
0x38: {  	_ =	swait.ge @!p0 [sflag:s0], s1  }
0x39: {  	s1 =	ssub.s32 @!p0 $0x0, s1;
	[sflag:s0] =	ssyncset.done @!p0 $0x0  }
0x3a: {  	[sflag:s0] =	ssyncadd.s32 @!p0 s1  }
0x3b: {  	[bflag:$0x3] =	sbarrier.arrive $0xFFFF  }
0x3c: {  	_ =	shalt  }

</sc_bundles>
